<compile_context>
chip_gen: v7x
topology: tpu7x:2x2x1
jax: 0.10.2.dev20260603
libtpu: 0.0.44.dev20260713+nightly
codegen_flags: <defaults>
</compile_context>

<pallas_src>
import dataclasses
import functools

import jax
import jax.numpy as jnp
from jax import lax
from jax.experimental import pallas as pl
from jax.experimental.pallas import tpu as pltpu
from jax.experimental.pallas import tpu_sc as plsc

N_NODES = 10000
N_EDGES = 320000
D = 128

NC = 2
NS = 16
NW = NC * NS
CHUNK = 64
NCHUNK = -(-(-(-N_EDGES // (NW * CHUNK))) // 8) * 8
EPAD = NW * NCHUNK * CHUNK
ECHT = NCHUNK * CHUNK
NPAD = -(-N_NODES // (NS * 128)) * (NS * 128)
ROWS_PER_TILE = NPAD // NS

_mesh = plsc.VectorSubcoreMesh(core_axis_name="c", subcore_axis_name="s")

_cp = pltpu.CompilerParams()
if "needs_layout_passes" in pltpu.CompilerParams.__dataclass_fields__:
  _cp = dataclasses.replace(_cp, needs_layout_passes=False)


@jax.jit
def _sc_deg(cols, ews):

  @functools.partial(
      pl.kernel,
      out_type=jax.ShapeDtypeStruct((NC * NPAD,), jnp.float32),
      mesh=_mesh,
      compiler_params=_cp,
      scratch_types=[
          pltpu.VMEM((NCHUNK, CHUNK), jnp.int32),
          pltpu.VMEM((ECHT,), jnp.float32),
          pltpu.VMEM((ROWS_PER_TILE,), jnp.float32),
          pltpu.VMEM_SHARED((NPAD,), jnp.float32),
      ],
  )
  def deg_kernel(cols_hbm, ews_hbm, deg_hbm, colv, ewv, zv, acc):
    cid = lax.axis_index("c")
    sid = lax.axis_index("s")
    wid = sid * NC + cid

    @pl.loop(0, ROWS_PER_TILE // 16)
    def _(i):
      zv[pl.ds(i * 16, 16)] = jnp.zeros((16,), jnp.float32)

    pltpu.sync_copy(zv, acc.at[pl.ds(sid * ROWS_PER_TILE, ROWS_PER_TILE)])
    plsc.subcore_barrier()

    pltpu.sync_copy(cols_hbm.at[wid], colv)
    pltpu.sync_copy(ews_hbm.at[wid], ewv)

    @pl.loop(0, NCHUNK)
    def _(k):
      pltpu.sync_copy(ewv.at[pl.ds(k * CHUNK, CHUNK)],
                      acc.at[colv.at[k]], add=True)

    plsc.subcore_barrier()
    pltpu.sync_copy(
        acc.at[pl.ds(sid * ROWS_PER_TILE, ROWS_PER_TILE)],
        deg_hbm.at[pl.ds(cid * NPAD + sid * ROWS_PER_TILE, ROWS_PER_TILE)])

  return deg_kernel(cols, ews)


NSLOT = 8
NBUF = 4


@jax.jit
def _sc_agg(h, z, rows, cols, ews):

  @functools.partial(
      pl.kernel,
      out_type=jax.ShapeDtypeStruct((NC, NPAD, D), jnp.float32),
      mesh=_mesh,
      compiler_params=_cp,
      scratch_types=[
          pltpu.VMEM((NSLOT, CHUNK), jnp.int32),
          pltpu.VMEM((NSLOT, CHUNK), jnp.int32),
          pltpu.VMEM((NSLOT, CHUNK), jnp.float32),
          pltpu.VMEM((CHUNK, D), jnp.float32),
          pltpu.VMEM((CHUNK, D), jnp.float32),
          pltpu.VMEM((CHUNK, D), jnp.float32),
          pltpu.VMEM((CHUNK, D), jnp.float32),
          pltpu.VMEM_SHARED((NPAD, D), jnp.float32),
          pltpu.SemaphoreType.DMA,
          pltpu.SemaphoreType.DMA,
          pltpu.SemaphoreType.DMA,
      ],
  )
  def agg_kernel(h_hbm, z_hbm, rows_hbm, cols_hbm, ews_hbm, out_hbm,
                 rowv, colv, ewv, gb0, gb1, gb2, gb3, acc, gsem, ssem, isem):
    cid = lax.axis_index("c")
    sid = lax.axis_index("s")
    wid = sid * NC + cid
    gbufs = (gb0, gb1, gb2, gb3)

    pltpu.sync_copy(z_hbm.at[pl.ds(sid * ROWS_PER_TILE, ROWS_PER_TILE)],
                    acc.at[pl.ds(sid * ROWS_PER_TILE, ROWS_PER_TILE)])
    plsc.subcore_barrier()

    def issue_idx(c, s):
      pltpu.async_copy(rows_hbm.at[wid, c, 0], rowv.at[s], isem)
      pltpu.async_copy(cols_hbm.at[wid, c, 0], colv.at[s], isem)
      pltpu.async_copy(ews_hbm.at[wid, c, 0], ewv.at[s], isem)

    def wait_idx(s):
      pltpu.make_async_copy(rows_hbm.at[0, 0, 0], rowv.at[s], isem).wait()
      pltpu.make_async_copy(rows_hbm.at[0, 0, 0], colv.at[s], isem).wait()
      pltpu.make_async_copy(ews_hbm.at[0, 0, 0], ewv.at[s], isem).wait()

    def start_gather(s, gb):
      pltpu.async_copy(h_hbm.at[rowv.at[s]], gb, gsem)

    def wait_gather(gb):
      pltpu.make_async_copy(h_hbm.at[pl.ds(0, CHUNK)], gb, gsem).wait()

    def wait_scatter(gb):
      pltpu.make_async_copy(h_hbm.at[pl.ds(0, CHUNK)], gb, ssem).wait()

    def scale(s, gb):
      @plsc.parallel_loop(0, CHUNK, unroll=4)
      def _(j):
        idx = jnp.full((16,), j, dtype=jnp.int32)
        ew16 = plsc.load_gather(ewv.at[s], [idx])
        for k in range(D // 16):
          gb[j, pl.ds(k * 16, 16)] = gb[j, pl.ds(k * 16, 16)] * ew16

    def start_scatter(s, gb):
      pltpu.async_copy(gb, acc.at[colv.at[s]], ssem, add=True)

    def chunk_body(c):
      peeled = isinstance(c, int)
      ci = c if peeled else c[0] + c[1]
      cm = c if peeled else c[0]
      if not peeled or c >= 2:
        wait_scatter(gbufs[(cm - 2) % NBUF])
      if not peeled or c + 4 < NCHUNK:
        issue_idx(ci + 4, (cm + 4) % NSLOT)
      if not peeled or c + 2 < NCHUNK:
        wait_idx((cm + 2) % NSLOT)
        start_gather((cm + 2) % NSLOT, gbufs[(cm + 2) % NBUF])
      wait_gather(gbufs[cm % NBUF])
      scale(cm % NSLOT, gbufs[cm % NBUF])
      start_scatter(cm % NSLOT, gbufs[cm % NBUF])

    for c in range(4):
      issue_idx(c, c)
    wait_idx(0)
    start_gather(0, gb0)
    wait_idx(1)
    start_gather(1, gb1)

    for c in range(6):
      chunk_body(c)

    @pl.loop(0, (NCHUNK - 16) // 8)
    def _(i):
      for b in range(8):
        chunk_body((6 + b, i * 8))

    for c in range(NCHUNK - 10, NCHUNK):
      chunk_body(c)
    wait_scatter(gb0)
    wait_scatter(gb1)

    plsc.subcore_barrier()

    @pl.loop(0, ROWS_PER_TILE // 64)
    def _(i):
      r = sid * ROWS_PER_TILE + i * 64
      pltpu.sync_copy(acc.at[pl.ds(r, 64)], out_hbm.at[cid, pl.ds(r, 64)])

  return agg_kernel(h, z, rows, cols, ews)


_BR = 1000


def _tc_matmul(x, W):
  def body(x_ref, w_ref, o_ref):
    o_ref[...] = jnp.dot(x_ref[...], w_ref[...],
                         preferred_element_type=jnp.float32)

  return pl.pallas_call(
      body,
      grid=(N_NODES // _BR,),
      in_specs=[
          pl.BlockSpec((_BR, D), lambda i: (i, 0)),
          pl.BlockSpec((D, D), lambda i: (0, 0)),
      ],
      out_specs=pl.BlockSpec((_BR, D), lambda i: (i, 0)),
      out_shape=jax.ShapeDtypeStruct((N_NODES, D), jnp.float32),
  )(x, W)


def _tc_dinv_scale(dega, degb, h):

  def body(da_ref, db_ref, h_ref, dinv_ref, ht_ref):
    deg = da_ref[...] + db_ref[...] + 1.0
    dinv = jax.lax.rsqrt(deg)
    dinv_ref[...] = dinv
    ht_ref[...] = dinv * h_ref[...]

  return pl.pallas_call(
      body,
      grid=(N_NODES // _BR,),
      in_specs=[
          pl.BlockSpec((_BR, 1), lambda i: (i, 0)),
          pl.BlockSpec((_BR, 1), lambda i: (i, 0)),
          pl.BlockSpec((_BR, D), lambda i: (i, 0)),
      ],
      out_specs=[
          pl.BlockSpec((_BR, 1), lambda i: (i, 0)),
          pl.BlockSpec((_BR, D), lambda i: (i, 0)),
      ],
      out_shape=[
          jax.ShapeDtypeStruct((N_NODES, 1), jnp.float32),
          jax.ShapeDtypeStruct((N_NODES, D), jnp.float32),
      ],
  )(dega, degb, h)


def _tc_mid(agg0, agg1, ht, dinv, b, W):

  def body(a0_ref, a1_ref, ht_ref, dinv_ref, b_ref, w_ref, o_ref):
    z = dinv_ref[...] * (a0_ref[...] + a1_ref[...] + ht_ref[...]) + b_ref[...]
    a = jnp.maximum(z, 0.0)
    o_ref[...] = dinv_ref[...] * jnp.dot(a, w_ref[...],
                                         preferred_element_type=jnp.float32)

  return pl.pallas_call(
      body,
      grid=(N_NODES // _BR,),
      in_specs=[
          pl.BlockSpec((_BR, D), lambda i: (i, 0)),
          pl.BlockSpec((_BR, D), lambda i: (i, 0)),
          pl.BlockSpec((_BR, D), lambda i: (i, 0)),
          pl.BlockSpec((_BR, 1), lambda i: (i, 0)),
          pl.BlockSpec((1, D), lambda i: (0, 0)),
          pl.BlockSpec((D, D), lambda i: (0, 0)),
      ],
      out_specs=pl.BlockSpec((_BR, D), lambda i: (i, 0)),
      out_shape=jax.ShapeDtypeStruct((N_NODES, D), jnp.float32),
  )(agg0, agg1, ht, dinv, b, W)


def _tc_final(agg0, agg1, ht, dinv, b):
  def body(a0_ref, a1_ref, ht_ref, dinv_ref, b_ref, o_ref):
    o_ref[...] = (dinv_ref[...] * (a0_ref[...] + a1_ref[...] + ht_ref[...])
                  + b_ref[...])

  return pl.pallas_call(
      body,
      grid=(N_NODES // _BR,),
      in_specs=[
          pl.BlockSpec((_BR, D), lambda i: (i, 0)),
          pl.BlockSpec((_BR, D), lambda i: (i, 0)),
          pl.BlockSpec((_BR, D), lambda i: (i, 0)),
          pl.BlockSpec((_BR, 1), lambda i: (i, 0)),
          pl.BlockSpec((1, D), lambda i: (0, 0)),
      ],
      out_specs=pl.BlockSpec((_BR, D), lambda i: (i, 0)),
      out_shape=jax.ShapeDtypeStruct((N_NODES, D), jnp.float32),
  )(agg0, agg1, ht, dinv, b)


def kernel(x, edge_index, edge_weight, W1, b1, W2, b2, W3, b3):
  pad = EPAD - N_EDGES
  rows4 = jnp.concatenate(
      [edge_index[0].astype(jnp.int32), jnp.zeros((pad,), jnp.int32)]
  ).reshape(NW, NCHUNK, 1, CHUNK)
  cols4 = jnp.concatenate(
      [edge_index[1].astype(jnp.int32), jnp.zeros((pad,), jnp.int32)]
  ).reshape(NW, NCHUNK, 1, CHUNK)
  ews4 = jnp.concatenate(
      [edge_weight, jnp.zeros((pad,), jnp.float32)]
  ).reshape(NW, NCHUNK, 1, CHUNK)
  cols3 = cols4.reshape(NW, NCHUNK, CHUNK)
  ews2 = ews4.reshape(NW, ECHT)

  b1r = b1.reshape(1, D)
  b2r = b2.reshape(1, D)
  b3r = b3.reshape(1, D)

  deg = _sc_deg(cols3, ews2)
  h1 = _tc_matmul(x, W1)

  dega = deg[:N_NODES].reshape(N_NODES, 1)
  degb = deg[NPAD:NPAD + N_NODES].reshape(N_NODES, 1)
  dinv, ht1 = _tc_dinv_scale(dega, degb, h1)

  zeros = jnp.zeros((NPAD, D), jnp.float32)

  agg1 = _sc_agg(ht1, zeros, rows4, cols4, ews4)
  ht2 = _tc_mid(agg1[0, :N_NODES], agg1[1, :N_NODES], ht1, dinv, b1r, W2)

  agg2 = _sc_agg(ht2, zeros, rows4, cols4, ews4)
  ht3 = _tc_mid(agg2[0, :N_NODES], agg2[1, :N_NODES], ht2, dinv, b2r, W3)

  agg3 = _sc_agg(ht3, zeros, rows4, cols4, ews4)
  return _tc_final(agg3[0, :N_NODES], agg3[1, :N_NODES], ht3, dinv, b3r)

# --- scband reference (transcript-rebuilt; emitter-appended) ---
"""Pipeline reference for scband-gnn-64020782514491 (READ-ONLY COPY).

The authoritative reference and input builder live on the scoring server;
editing this copy changes nothing except your own understanding.
"""

import jax, jax.numpy as jnp
import numpy as np

N_NODES = 10000
N_EDGES = 320000
D_FEAT = 128
HIDDEN = 128


def setup_inputs(seed: int = 0) -> dict:
    key = jax.random.key(seed)
    ks = jax.random.split(key, 10)
    x = jax.random.normal(ks[0], (N_NODES, D_FEAT), dtype=jnp.float32)
    edge_index = jax.random.randint(ks[1], (2, N_EDGES), 0, N_NODES, dtype=jnp.int64)
    edge_weight = jax.random.uniform(ks[2], (N_EDGES,), dtype=jnp.float32)
    s1 = 1.0 / np.sqrt(D_FEAT)
    s2 = 1.0 / np.sqrt(HIDDEN)
    W1 = jax.random.uniform(ks[3], (D_FEAT, HIDDEN), dtype=jnp.float32, minval=-s1, maxval=s1)
    b1 = jnp.zeros((HIDDEN,), dtype=jnp.float32)
    W2 = jax.random.uniform(ks[4], (HIDDEN, HIDDEN), dtype=jnp.float32, minval=-s2, maxval=s2)
    b2 = jnp.zeros((HIDDEN,), dtype=jnp.float32)
    W3 = jax.random.uniform(ks[5], (HIDDEN, HIDDEN), dtype=jnp.float32, minval=-s2, maxval=s2)
    b3 = jnp.zeros((HIDDEN,), dtype=jnp.float32)
    return {"x": x, "edge_index": edge_index, "edge_weight": edge_weight,
            "W1": W1, "b1": b1, "W2": W2, "b2": b2, "W3": W3, "b3": b3}


def _gcn_conv(x, W, b, edge_index, edge_weight):
    # GCNConv: x' = D^{-1/2} (A + I) D^{-1/2} (x W) + b
    n = x.shape[0]
    h = x @ W
    row = edge_index[0]
    col = edge_index[1]
    loop = jnp.arange(n, dtype=edge_index.dtype)
    row = jnp.concatenate([row, loop])
    col = jnp.concatenate([col, loop])
    ew = jnp.concatenate([edge_weight, jnp.ones((n,), dtype=edge_weight.dtype)])
    deg = jnp.zeros((n,), dtype=h.dtype).at[col].add(ew)
    dinv = jnp.where(deg > 0, deg ** -0.5, 0.0)
    norm = dinv[row] * ew * dinv[col]
    msg = h[row] * norm[:, None]
    out = jnp.zeros_like(h).at[col].add(msg)
    return out + b


def reference(x, edge_index, edge_weight, W1, b1, W2, b2, W3, b3):
    h = _gcn_conv(x, W1, b1, edge_index, edge_weight)
    h = jax.nn.relu(h)
    # dropout p=0.1 is identity in eval mode (training=False)
    h = _gcn_conv(h, W2, b2, edge_index, edge_weight)
    h = jax.nn.relu(h)
    h = _gcn_conv(h, W3, b3, edge_index, edge_weight)
    return h

if __name__ == "__main__":
    import jax
    _d = setup_inputs()
    print(jax.jit(kernel)(*tuple(_d.values())))

</pallas_src>

<mosaic_0001>
#map = affine_map<(d0, d1) -> (0, 0, 0)>
#map1 = affine_map<(d0, d1) -> (0, 0)>
#map2 = affine_map<(d0, d1) -> (0)>
module attributes {stable_mosaic.version = 14 : i64} {
  func.func @deg_kernel(%arg0: i32, %arg1: i32, %arg2: memref<32x160x64xi32, #tpu.memory_space<hbm>>, %arg3: memref<32x10240xf32, #tpu.memory_space<hbm>>, %arg4: memref<20480xf32, #tpu.memory_space<hbm>>, %arg5: memref<160x64xi32, #tpu.memory_space<vmem>>, %arg6: memref<10240xf32, #tpu.memory_space<vmem>>, %arg7: memref<640xf32, #tpu.memory_space<vmem>>, %arg8: memref<10240xf32, #tpu.memory_space<vmem_shared>>) attributes {dimension_semantics = [#tpu.dimension_semantics<core_parallel>, #tpu.dimension_semantics<subcore_parallel>], iteration_bounds = array<i64: 2, 16>, scalar_prefetch = 0 : i64, scratch_operands = 4 : i64, tpu.core_type = #tpu.core_type<sc_vector_subcore>, window_params = [{transform_indices = #map}, {transform_indices = #map1}, {transform_indices = #map2}]} {
    %mul3A = arith.constant 2 : i32
    %mul3A_0 = arith.muli %arg1, %mul3A : i32
    %add3A = arith.addi %mul3A_0, %arg0 : i32
    %scan3A = arith.constant 0 : i32
    %scan3A_1 = arith.constant 40 : i32
    %scan3A_2 = arith.addi %scan3A, %scan3A_1 : i32
    %scan3A_3 = arith.constant 1 : i32
    scf.for %scan3A_20 = %scan3A to %scan3A_2 step %scan3A_3  : i32 {
      %mul3A_21 = arith.constant 1 : i32
      %mul3A_22 = arith.muli %scan3A_20, %mul3A_21 : i32
      %add3A_23 = arith.constant 0 : i32
      %add3A_24 = arith.addi %add3A_23, %mul3A_22 : i32
      %broadcast_in_dim3A = arith.constant 0.000000e+00 : f32
      %broadcast_in_dim3A_25 = vector.broadcast %broadcast_in_dim3A : f32 to vector<16xf32>
      %mul3A_26 = arith.constant 16 : i32
      %mul3A_27 = arith.muli %add3A_24, %mul3A_26 : i32
      %swap3A = arith.index_cast %mul3A_27 : i32 to index
      %swap3A_28 = tpu.vector_load %arg7[%swap3A] {strides = array<i32>} : memref<640xf32, #tpu.memory_space<vmem>>, vector<16xf32>,
      tpu.vector_store %arg7[%swap3A], %broadcast_in_dim3A_25 {strides = array<i32>} : memref<640xf32, #tpu.memory_space<vmem>>, vector<16xf32>,
    }
    %scan3A_4 = arith.constant 40 : i32
    %mul3A_5 = arith.constant 640 : i32
    %mul3A_6 = arith.muli %arg1, %mul3A_5 : i32
    "tpu.region"() ({
      %run_scoped3A = tpu.sem_alloc : memref<!tpu.dma_semaphore, #tpu.memory_space<semaphore_mem>>
      %dma_start3A = tpu.memref_slice %arg8[%mul3A_6] : memref<10240xf32, #tpu.memory_space<vmem_shared>> -> memref<640xf32, #tpu.memory_space<vmem_shared>>
      %dma_start3A_20 = tpu.memref_slice %arg8[%mul3A_6] : memref<10240xf32, #tpu.memory_space<vmem_shared>> -> memref<640xf32, #tpu.memory_space<vmem_shared>>
      tpu.enqueue_dma source(%arg7 : memref<640xf32, #tpu.memory_space<vmem>>) target(%dma_start3A_20 : memref<640xf32, #tpu.memory_space<vmem_shared>>) target_semaphore(%run_scoped3A : memref<!tpu.dma_semaphore, #tpu.memory_space<semaphore_mem>>)
      %dma_wait3A = tpu.memref_slice %arg8[%mul3A_6] : memref<10240xf32, #tpu.memory_space<vmem_shared>> -> memref<640xf32, #tpu.memory_space<vmem_shared>>
      %dma_wait3A_21 = tpu.memref_slice %arg8[%mul3A_6] : memref<10240xf32, #tpu.memory_space<vmem_shared>> -> memref<640xf32, #tpu.memory_space<vmem_shared>>
      tpu.wait_dma2 semaphore(%run_scoped3A : memref<!tpu.dma_semaphore, #tpu.memory_space<semaphore_mem>>) src(%arg7 : memref<640xf32, #tpu.memory_space<vmem>>) dst(%dma_wait3A_21 : memref<640xf32, #tpu.memory_space<vmem_shared>>)
      tpu.yield
    }) : () -> ()
    %barrier3A = arith.constant 0 : index
    tpu.barrier barrier_id(%barrier3A)
    "tpu.region"() ({
      %run_scoped3A = tpu.sem_alloc : memref<!tpu.dma_semaphore, #tpu.memory_space<semaphore_mem>>
      %dma_start3A = arith.constant 0 : i32
      %dma_start3A_20 = arith.constant 0 : i32
      %dma_start3A_21 = tpu.memref_slice %arg2[%add3A, %dma_start3A, %dma_start3A_20] : memref<32x160x64xi32, #tpu.memory_space<hbm>> -> memref<1x160x64xi32, #tpu.memory_space<hbm>>
      %dma_start3A_22 = tpu.memref_squeeze %dma_start3A_21 : memref<1x160x64xi32, #tpu.memory_space<hbm>> -> memref<160x64xi32, #tpu.memory_space<hbm>>
      %dma_start3A_23 = arith.constant 0 : i32
      %dma_start3A_24 = arith.constant 0 : i32
      %dma_start3A_25 = tpu.memref_slice %arg2[%add3A, %dma_start3A_23, %dma_start3A_24] : memref<32x160x64xi32, #tpu.memory_space<hbm>> -> memref<1x160x64xi32, #tpu.memory_space<hbm>>
      %dma_start3A_26 = tpu.memref_squeeze %dma_start3A_25 : memref<1x160x64xi32, #tpu.memory_space<hbm>> -> memref<160x64xi32, #tpu.memory_space<hbm>>
      tpu.enqueue_dma source(%dma_start3A_26 : memref<160x64xi32, #tpu.memory_space<hbm>>) target(%arg5 : memref<160x64xi32, #tpu.memory_space<vmem>>) target_semaphore(%run_scoped3A : memref<!tpu.dma_semaphore, #tpu.memory_space<semaphore_mem>>)
      %dma_wait3A = arith.constant 0 : i32
      %dma_wait3A_27 = arith.constant 0 : i32
      %dma_wait3A_28 = tpu.memref_slice %arg2[%add3A, %dma_wait3A, %dma_wait3A_27] : memref<32x160x64xi32, #tpu.memory_space<hbm>> -> memref<1x160x64xi32, #tpu.memory_space<hbm>>
      %dma_wait3A_29 = tpu.memref_squeeze %dma_wait3A_28 : memref<1x160x64xi32, #tpu.memory_space<hbm>> -> memref<160x64xi32, #tpu.memory_space<hbm>>
      %dma_wait3A_30 = arith.constant 0 : i32
      %dma_wait3A_31 = arith.constant 0 : i32
      %dma_wait3A_32 = tpu.memref_slice %arg2[%add3A, %dma_wait3A_30, %dma_wait3A_31] : memref<32x160x64xi32, #tpu.memory_space<hbm>> -> memref<1x160x64xi32, #tpu.memory_space<hbm>>
      %dma_wait3A_33 = tpu.memref_squeeze %dma_wait3A_32 : memref<1x160x64xi32, #tpu.memory_space<hbm>> -> memref<160x64xi32, #tpu.memory_space<hbm>>
      tpu.wait_dma2 semaphore(%run_scoped3A : memref<!tpu.dma_semaphore, #tpu.memory_space<semaphore_mem>>) src(%dma_wait3A_33 : memref<160x64xi32, #tpu.memory_space<hbm>>) dst(%arg5 : memref<160x64xi32, #tpu.memory_space<vmem>>)
      tpu.yield
    }) : () -> ()
    "tpu.region"() ({
      %run_scoped3A = tpu.sem_alloc : memref<!tpu.dma_semaphore, #tpu.memory_space<semaphore_mem>>
      %dma_start3A = arith.constant 0 : i32
      %dma_start3A_20 = tpu.memref_slice %arg3[%add3A, %dma_start3A] : memref<32x10240xf32, #tpu.memory_space<hbm>> -> memref<1x10240xf32, #tpu.memory_space<hbm>>
      %dma_start3A_21 = tpu.memref_squeeze %dma_start3A_20 : memref<1x10240xf32, #tpu.memory_space<hbm>> -> memref<10240xf32, #tpu.memory_space<hbm>>
      %dma_start3A_22 = arith.constant 0 : i32
      %dma_start3A_23 = tpu.memref_slice %arg3[%add3A, %dma_start3A_22] : memref<32x10240xf32, #tpu.memory_space<hbm>> -> memref<1x10240xf32, #tpu.memory_space<hbm>>
      %dma_start3A_24 = tpu.memref_squeeze %dma_start3A_23 : memref<1x10240xf32, #tpu.memory_space<hbm>> -> memref<10240xf32, #tpu.memory_space<hbm>>
      tpu.enqueue_dma source(%dma_start3A_24 : memref<10240xf32, #tpu.memory_space<hbm>>) target(%arg6 : memref<10240xf32, #tpu.memory_space<vmem>>) target_semaphore(%run_scoped3A : memref<!tpu.dma_semaphore, #tpu.memory_space<semaphore_mem>>)
      %dma_wait3A = arith.constant 0 : i32
      %dma_wait3A_25 = tpu.memref_slice %arg3[%add3A, %dma_wait3A] : memref<32x10240xf32, #tpu.memory_space<hbm>> -> memref<1x10240xf32, #tpu.memory_space<hbm>>
      %dma_wait3A_26 = tpu.memref_squeeze %dma_wait3A_25 : memref<1x10240xf32, #tpu.memory_space<hbm>> -> memref<10240xf32, #tpu.memory_space<hbm>>
      %dma_wait3A_27 = arith.constant 0 : i32
      %dma_wait3A_28 = tpu.memref_slice %arg3[%add3A, %dma_wait3A_27] : memref<32x10240xf32, #tpu.memory_space<hbm>> -> memref<1x10240xf32, #tpu.memory_space<hbm>>
      %dma_wait3A_29 = tpu.memref_squeeze %dma_wait3A_28 : memref<1x10240xf32, #tpu.memory_space<hbm>> -> memref<10240xf32, #tpu.memory_space<hbm>>
      tpu.wait_dma2 semaphore(%run_scoped3A : memref<!tpu.dma_semaphore, #tpu.memory_space<semaphore_mem>>) src(%dma_wait3A_29 : memref<10240xf32, #tpu.memory_space<hbm>>) dst(%arg6 : memref<10240xf32, #tpu.memory_space<vmem>>)
      tpu.yield
    }) : () -> ()
    %scan3A_7 = arith.constant 0 : i32
    %scan3A_8 = arith.constant 160 : i32
    %scan3A_9 = arith.addi %scan3A_7, %scan3A_8 : i32
    %scan3A_10 = arith.constant 1 : i32
    scf.for %scan3A_20 = %scan3A_7 to %scan3A_9 step %scan3A_10  : i32 {
      %mul3A_21 = arith.constant 1 : i32
      %mul3A_22 = arith.muli %scan3A_20, %mul3A_21 : i32
      %add3A_23 = arith.constant 0 : i32
      %add3A_24 = arith.addi %add3A_23, %mul3A_22 : i32
      %mul3A_25 = arith.constant 64 : i32
      %mul3A_26 = arith.muli %add3A_24, %mul3A_25 : i32
      "tpu.region"() ({
        %run_scoped3A = tpu.sem_alloc : memref<!tpu.dma_semaphore, #tpu.memory_space<semaphore_mem>>
        %dma_start3A = tpu.memref_slice %arg6[%mul3A_26] : memref<10240xf32, #tpu.memory_space<vmem>> -> memref<64xf32, #tpu.memory_space<vmem>>
        %dma_start3A_27 = arith.constant 0 : i32
        %dma_start3A_28 = tpu.memref_slice %arg5[%add3A_24, %dma_start3A_27] : memref<160x64xi32, #tpu.memory_space<vmem>> -> memref<1x64xi32, #tpu.memory_space<vmem>>
        %dma_start3A_29 = tpu.memref_squeeze %dma_start3A_28 : memref<1x64xi32, #tpu.memory_space<vmem>> -> memref<64xi32, #tpu.memory_space<vmem>>
        %dma_start3A_30 = arith.constant 0 : i32
        %dma_start3A_31 = tpu.memref_slice %arg8[%dma_start3A_30] : memref<10240xf32, #tpu.memory_space<vmem_shared>> -> memref<10240xf32, #tpu.memory_space<vmem_shared>>
        tpu.enqueue_indirect_dma source(%dma_start3A : memref<64xf32, #tpu.memory_space<vmem>>) target(%dma_start3A_31 : memref<10240xf32, #tpu.memory_space<vmem_shared>>) offsets(%dma_start3A_29 : memref<64xi32, #tpu.memory_space<vmem>>) semaphore(%run_scoped3A : memref<!tpu.dma_semaphore, #tpu.memory_space<semaphore_mem>>) {add = true}
        %dma_wait3A = tpu.memref_slice %arg6[%mul3A_26] : memref<10240xf32, #tpu.memory_space<vmem>> -> memref<64xf32, #tpu.memory_space<vmem>>
        %dma_wait3A_32 = arith.constant 0 : i32
        %dma_wait3A_33 = tpu.memref_slice %arg5[%add3A_24, %dma_wait3A_32] : memref<160x64xi32, #tpu.memory_space<vmem>> -> memref<1x64xi32, #tpu.memory_space<vmem>>
        %dma_wait3A_34 = tpu.memref_squeeze %dma_wait3A_33 : memref<1x64xi32, #tpu.memory_space<vmem>> -> memref<64xi32, #tpu.memory_space<vmem>>
        %dma_wait3A_35 = arith.constant 0 : i32
        %dma_wait3A_36 = tpu.memref_slice %arg8[%dma_wait3A_35] : memref<10240xf32, #tpu.memory_space<vmem_shared>> -> memref<10240xf32, #tpu.memory_space<vmem_shared>>
        tpu.wait_indirect_dma semaphore(%run_scoped3A : memref<!tpu.dma_semaphore, #tpu.memory_space<semaphore_mem>>) src(%dma_wait3A : memref<64xf32, #tpu.memory_space<vmem>>) dst(%dma_wait3A_36 : memref<10240xf32, #tpu.memory_space<vmem_shared>>)
        tpu.yield
      }) : () -> ()
    }
    %scan3A_11 = arith.constant 160 : i32
    %barrier3A_12 = arith.constant 0 : index
    tpu.barrier barrier_id(%barrier3A_12)
    %mul3A_13 = arith.constant 640 : i32
    %mul3A_14 = arith.muli %arg1, %mul3A_13 : i32
    %mul3A_15 = arith.constant 10240 : i32
    %mul3A_16 = arith.muli %arg0, %mul3A_15 : i32
    %mul3A_17 = arith.constant 640 : i32
    %mul3A_18 = arith.muli %arg1, %mul3A_17 : i32
    %add3A_19 = arith.addi %mul3A_16, %mul3A_18 : i32
    "tpu.region"() ({
      %run_scoped3A = tpu.sem_alloc : memref<!tpu.dma_semaphore, #tpu.memory_space<semaphore_mem>>
      %dma_start3A = tpu.memref_slice %arg4[%add3A_19] : memref<20480xf32, #tpu.memory_space<hbm>> -> memref<640xf32, #tpu.memory_space<hbm>>
      %dma_start3A_20 = tpu.memref_slice %arg8[%mul3A_14] : memref<10240xf32, #tpu.memory_space<vmem_shared>> -> memref<640xf32, #tpu.memory_space<vmem_shared>>
      tpu.enqueue_dma source(%dma_start3A_20 : memref<640xf32, #tpu.memory_space<vmem_shared>>) target(%dma_start3A : memref<640xf32, #tpu.memory_space<hbm>>) target_semaphore(%run_scoped3A : memref<!tpu.dma_semaphore, #tpu.memory_space<semaphore_mem>>)
      %dma_wait3A = tpu.memref_slice %arg4[%add3A_19] : memref<20480xf32, #tpu.memory_space<hbm>> -> memref<640xf32, #tpu.memory_space<hbm>>
      %dma_wait3A_21 = tpu.memref_slice %arg8[%mul3A_14] : memref<10240xf32, #tpu.memory_space<vmem_shared>> -> memref<640xf32, #tpu.memory_space<vmem_shared>>
      tpu.wait_dma2 semaphore(%run_scoped3A : memref<!tpu.dma_semaphore, #tpu.memory_space<semaphore_mem>>) src(%dma_wait3A_21 : memref<640xf32, #tpu.memory_space<vmem_shared>>) dst(%dma_wait3A : memref<640xf32, #tpu.memory_space<hbm>>)
      tpu.yield
    }) : () -> ()
    return
  }
}

</mosaic_0001>

<sc_bundles>
// kernel: _sc_deg.3.cloned.1.call-start
scs
__scs_entry_jumppad:
0x0: {  	(pc) =	sbr.rel $0x88, $3  }
0x1: {  	(tag) =	ssettag $0x0;
	lr =	simm.s32 $0x1  }
0x2: {  	[smem:$0x3F9F] =	sst lr;
	_ =	strace $0xD0000000  }
0x3: {  	_ = 	snop  }
0x4: {  	_ = 	snop  }
0x5: {  	_ = 	snop  }
0x6: {  	_ = 	snop  }
0x7: {  	_ = 	snop  }
__scs_overlays_trampoline_lowered:
0x8: {  	[smem:$0x3FAE] =	sst s0  }
0x9: {  	[smem:$0x3FAF] =	sst s1  }
0xa: {  	[smem:$0x3FB0] =	sst s2  }
0xb: {  	[smem:$0x3FB1] =	sst s3  }
0xc: {  	[smem:$0x3FB2] =	sst s4  }
0xd: {  	[smem:$0x3FB3] =	sst s5  }
0xe: {  	[smem:$0x3FB4] =	sst s6  }
0xf: {  	[smem:$0x3FB5] =	sst s7  }
0x10: {  	[smem:$0x3FB6] =	sst s8  }
0x11: {  	[smem:$0x3FB7] =	sst s9;
	s0 =	simm.s32 @!p0 $0x0  }
0x12: {  	s1 =	sld [smem:$0x3F9D];
	s0 =	simm.s32 @p0 $0x1  }
0x13: {  	[smem:$0x3FB8] =	sst s0;
	s0 =	simm.s32 @!p1 $0x0  }
0x14: {  	s2 =	sld [smem:$0x3F9C];
	s0 =	simm.s32 @p1 $0x1  }
0x15: {  	[smem:$0x3FB9] =	sst s0;
	s0 =	simm.s32 @!p2 $0x0  }
0x16: {  	s3 =	sld [smem:$0x3FDB];
	s0 =	simm.s32 @p2 $0x1  }
0x17: {  	s4 =	simm.s32 $0x1BF5;
	[smem:$0x3FBB] =	sst s0  }
0x18: {  	s0 =	sld [smem:$0x3F9E];
	_ =	swait.ge [sflag:s4], $0x0  }
0x19: {  	s7 =	sld [smem:$0x3F9F]  }
0x1a: {  	s8 =	sadd.s32 $0xFFFFE003, lr  }
0x1b: {  	s9 =	sadd.s32 $0xFFFFFEF7, lr;
	s5 =	simm.s32 $0xFFFFFFFF;
	p2 =	slt.u32 s8, $0xFFFFF086  }
0x1c: {  	p1 =	slt.u32 s9, $0xF7A;
	s5 =	simm.s32 @!p2 $0x0  }
0x1d: {  	s5 =	simm.s32 @p1 $0x1;
	p0 =	seq.s32 s7, s2  }
0x1e: {  	s7 =	smul.u32 @!p0 $0xF7A, s2;
	p2 =	seq.s32 @!p0 s5, $0x0  }
0x1f: {  	s9 =	smul.u32 $0xF7A, s1;
	s8 =	simm.s32 @!p0 $0x1BF5;
	p2 =	por !p2, p0  }
0x20: {  	[sflag:s8] =	ssyncset.s32 @!p0 $0xFFFFF086;
	s6 =	sadd.s32 @!p0 s3, s7;
	s7 =	simm.s32 @!p0 $0x108  }
0x21: {  	s3 =	sadd.s32 s3, s9;
	s6 =	sadd.s32 @!p0 $0x88, s6;
	s7 =	simm.s32 @p2 $0x1082  }
0x22: {  	[simem:s7], [sflag:s8] =	dma.local @!p0 [hbm:s6], $0xF7A  }
0x23: {  	s9 =	sor.u32 $0xD0000000, s2;
	s6 =	simm.s32 $0x108;
	_ =	swait.ge @!p0 [sflag:s8], $0x0  }
0x24: {  	s3 =	sadd.s32 $0x88, s3;
	s6 =	simm.s32 @!p1 $0x1082;
	[sflag:s4] =	ssyncset.s32 $0xFFFFF086  }
0x25: {  	[simem:s6], [sflag:s4] =	dma.local [hbm:s3], $0xF7A  }
0x26: {  	[smem:$0x3F9F] =	sst s1;
	(tag) =	ssettag s2;
	_ =	strace s9  }
0x27: {  	s1 =	sld [smem:$0x3FAF]  }
0x28: {  	s2 =	sld [smem:$0x3FB0]  }
0x29: {  	s4 =	sld [smem:$0x3FB2]  }
0x2a: {  	p0 =	seq.s32 s5, $0x0;
	s5 =	sld [smem:$0x3FB3]  }
0x2b: {  	s6 =	sld [smem:$0x3FB4]  }
0x2c: {  	s7 =	sld [smem:$0x3FB5]  }
0x2d: {  	s3 =	simm.s32 $0x108;
	s8 =	sld [smem:$0x3FB6]  }
0x2e: {  	s3 =	simm.s32 @!p0 $0x1082;
	s9 =	sld [smem:$0x3FB7]  }
0x2f: {  	lr =	sadd.s32 s0, s3;
	s0 =	sld [smem:$0x3FAE]  }
0x30: {  	s3 =	sld [smem:$0x3FB1]  }
0x31: {  	[smem:$0x3FBA] =	sst s10  }
0x32: {  	s10 =	sld [smem:$0x3FB8];
	_ =	sdelay $0x3  }
0x33: {  	p0 =	seq.s32 s10, $0x1;
	s10 =	sld [smem:$0x3FBA];
	_ =	sdelay $0x3  }
0x34: {  	[smem:$0x3FBA] =	sst s10  }
0x35: {  	s10 =	sld [smem:$0x3FB9];
	_ =	sdelay $0x3  }
0x36: {  	p1 =	seq.s32 s10, $0x1;
	s10 =	sld [smem:$0x3FBA];
	_ =	sdelay $0x3  }
0x37: {  	[smem:$0x3FBA] =	sst s10  }
0x38: {  	s10 =	sld [smem:$0x3FBB]  }
0x39: {  	_ = 	snop;
	(pc) =	sbr.ind lr, $3  }
0x3a: {  	_ = 	snop  }
0x3b: {  	_ = 	snop  }
0x3c: {  	p2 =	seq.s32 s10, $0x1;
	s10 =	sld [smem:$0x3FBA]  }
0x3d: {  	_ =	shalt  }
0x3e: {  	_ =	shalt  }
0x3f: {  	_ =	shalt  }
0x40: {  	_ =	shalt  }
0x41: {  	_ =	shalt  }
0x42: {  	_ =	shalt  }
0x43: {  	_ =	shalt  }
0x44: {  	_ =	shalt  }
0x45: {  	_ =	shalt  }
0x46: {  	_ =	shalt  }
0x47: {  	_ =	shalt  }
0x48: {  	_ =	shalt  }
0x49: {  	_ =	shalt  }
0x4a: {  	_ =	shalt  }
0x4b: {  	_ =	shalt  }
0x4c: {  	_ =	shalt  }
0x4d: {  	_ =	shalt  }
0x4e: {  	_ =	shalt  }
0x4f: {  	_ =	shalt  }
0x50: {  	_ =	shalt  }
0x51: {  	_ =	shalt  }
0x52: {  	_ =	shalt  }
0x53: {  	_ =	shalt  }
0x54: {  	_ =	shalt  }
0x55: {  	_ =	shalt  }
0x56: {  	_ =	shalt  }
0x57: {  	_ =	shalt  }
0x58: {  	_ =	shalt  }
0x59: {  	_ =	shalt  }
0x5a: {  	_ =	shalt  }
0x5b: {  	_ =	shalt  }
0x5c: {  	_ =	shalt  }
0x5d: {  	_ =	shalt  }
0x5e: {  	_ =	shalt  }
0x5f: {  	_ =	shalt  }
0x60: {  	_ =	shalt  }
0x61: {  	_ =	shalt  }
0x62: {  	_ =	shalt  }
0x63: {  	_ =	shalt  }
0x64: {  	_ =	shalt  }
0x65: {  	_ =	shalt  }
0x66: {  	_ =	shalt  }
0x67: {  	_ =	shalt  }
0x68: {  	_ =	shalt  }
0x69: {  	_ =	shalt  }
0x6a: {  	_ =	shalt  }
0x6b: {  	_ =	shalt  }
0x6c: {  	_ =	shalt  }
0x6d: {  	_ =	shalt  }
0x6e: {  	_ =	shalt  }
0x6f: {  	_ =	shalt  }
0x70: {  	_ =	shalt  }
0x71: {  	_ =	shalt  }
0x72: {  	_ =	shalt  }
0x73: {  	_ =	shalt  }
0x74: {  	_ =	shalt  }
0x75: {  	_ =	shalt  }
0x76: {  	_ =	shalt  }
0x77: {  	_ =	shalt  }
0x78: {  	_ =	shalt  }
0x79: {  	_ =	shalt  }
0x7a: {  	_ =	shalt  }
0x7b: {  	_ =	shalt  }
0x7c: {  	_ =	shalt  }
0x7d: {  	_ =	shalt  }
0x7e: {  	_ =	shalt  }
0x7f: {  	_ =	shalt  }
0x80: {  	_ =	shalt  }
0x81: {  	_ =	shalt  }
0x82: {  	_ =	shalt  }
0x83: {  	_ =	shalt  }
0x84: {  	_ =	shalt  }
0x85: {  	_ =	shalt  }
0x86: {  	_ =	shalt  }
0x87: {  	_ =	shalt  }
.Lfunc_end0:
.L_simem_size_0:
called_computation_lowered:
.L_overlay_start_0:
0x88: {  	s2 =	sld [smem:$0x3FD9]  }
0x89: {  	s3 =	sld [smem:$0x3FFE];
	_ =	sdelay $0x1  }
0x8a: {  	s1 =	srdreg.scid  }
0x8b: {  	s0 =	sand.u32 $0x1, s1  }
0x8c: {  	s17 =	sshll.u32 s0, $0xA;
	s2 =	sadd.s32 s3, s2  }
0x8d: {  	s2 =	sadd.s32 s2, s17  }
0x8e: {  	[smem:$0x3FC6] =	sst s2  }
0x8f: {  	_ = 	snop  }
0x90: {  	s2 =	sld [smem:$0x3FC8]  }
0x91: {  	s18 =	sld [smem:$0x3FD0];
	(tm) =	ssettm $0x1  }
0x92: {  	s4 =	sld [smem:$0x3FFB];
	_ =	sdelay $0x3  }
0x93: {  	_ =	strace s4  }
0x94: {  	s4 =	sld [smem:$0x3FFC];
	_ =	sdelay $0x3  }
0x95: {  	_ =	strace s4  }
0x96: {  	s4 =	sld [smem:$0x3FFD];
	_ =	sdelay $0x3  }
0x97: {  	_ =	strace s4  }
0x98: {  	_ =	strace $0x8FFFFFFF  }
0x99: {  	s19 =	sld [smem:$0x3FDB];
	_ =	sdelay $0x1  }
0x9a: {  	s5 =	simm.s32 $_scs_section_size  }
0x9b: {  	s6 =	simm.s32 $_size__tile_overlayer_lowered;
	s7 =	simm.s32 $_tile_overlayer_lowered  }
0x9c: {  	s22 =	simm.s32 $0x1BFF;
	s21 =	sshll.u32 s7, $0x1;
	s4 =	sadd.s32 s5, s19  }
0x9d: {  	s8 =	simm.s32 $0x0;
	s20 =	sshll.u32 s6, $0x1;
	s6 =	sadd.s32 s21, s4  }
0x9e: {  	[timem:s8], [sflag:s22] =	dma.local [hbm:s6], s20  }
0x9f: {  	_ =	swait.ge [sflag:s22], s20  }
0xa0: {  	s5 =	ssub.s32 $0x0, s20;
	[sflag:s22] =	ssyncset.done $0x0  }
0xa1: {  	[sflag:s22] =	ssyncadd.s32 s5;
	_ =	sdelay $0x1  }
0xa2: {  	s23 =	simm.s32 $0x1B8B  }
0xa3: {  	_ =	swait.ge [sflag:s23], $0x1  }
0xa4: {  	[sflag:s23] =	ssyncset.done $0x0  }
0xa5: {  	s25 =	simm.s32 $0x1B8E;
	s24 =	sld [smem:$0x3FFE];
	[sflag:s23] =	ssyncadd.s32 $0xFFFFFFFF  }
0xa6: {  	s26 =	simm.s32 $execute0_lowered;
	[smem:$0x3FD2] =	sst s25  }
0xa7: {  	s6 =	sshll.u32 s26, $0x1;
	_ =	strace $0x80000046;
	[dreg:$0x1] =	wrdreg $0xFFFFFFFF  }
0xa8: {  	s28 =	simm.s32 $_size_execute0_lowered;
	s4 =	sadd.s32 s4, s6;
	[dreg:$0x0] =	wrdreg $0x0  }
0xa9: {  	s6 =	sshll.u32 s28, $0x1;
	[dreg:$0x2] =	wrdreg s4  }
0xaa: {  	[dreg:$0x3] =	wrdreg s6  }
0xab: {  	[dreg:$0x4] =	wrdreg $0xC0  }
0xac: {  	_ =	task [dreg:s8], $0x5FFFF  }
0xad: {  	[dreg:$0x1] =	wrdreg $0xFFFFFFFF  }
0xae: {  	[dreg:$0x0] =	wrdreg $0x60  }
0xaf: {  	[dreg:$0x2] =	wrdreg s24  }
0xb0: {  	[dreg:$0x3] =	wrdreg s2  }
0xb1: {  	[dreg:$0x4] =	wrdreg s18  }
0xb2: {  	[dreg:$0x5] =	wrdreg $0x7A800  }
0xb3: {  	[dreg:$0x6] =	wrdreg $0x9  }
0xb4: {  	_ =	task.clear_ibuf [dreg:s8], $0x7FFFF;
	_ =	strace $0x90000046  }
0xb5: {  	s29 =	simm.s32 $0x9;
	_ =	strace $0x80000048  }
0xb6: {  	_ =	swait.ge [sflag:s29], $0x1  }
0xb7: {  	[sflag:s29] =	ssyncadd.s32 $0xFFFFFFFF  }
0xb8: {  	_ =	strace $0x90000048  }
0xb9: {  	_ =	sfence  }
0xba: {  	s30 =	sld [smem:$0x0];
	_ =	sdelay $0x2  }
0xbb: {  	s31 =	sshll.u32 s1, $0xD;
	s1 =	sshrl.u32 s1, $0x2  }
0xbc: {  	s3 =	sand.u32 $0x4000, s31;
	s1 =	sadd.s32 s1, s30  }
0xbd: {  	s0 =	sor.u32 s3, s0;
	s1 =	sshll.u32 s1, $0x11  }
0xbe: {  	s0 =	sor.u32 s1, s0  }
0xbf: {  	s0 =	sadd.s32 $0x8F2B, s0  }
0xc0: {  	[sflag:s0] =	ssyncadd.remote.s32 $0x1  }
0xc1: {  	_ =	sfence.sel $0xFFFF  }
0xc2: {  	[dreg:$0x0] =	wrdreg $0xFFFFFFFF;
	(pc) =	sbr.abs _section_cstart, $3  }
0xc3: {  	[dreg:$0x1] =	wrdreg $0xFFFFFFFF  }
0xc4: {  	_ =	task.clear_ibuf [dreg:s8], $0x2FFFF;
	_ =	strace $0x9FFFFFFF  }
0xc5: {  	(tm) =	ssettm $0x7FFFFFFF  }
tec
execute0_lowered:
.L_overlay_start_1:
0x0: {  	(tag) =	ssettag $0x1  }
0x1: {  	s4 =	rddreg [dreg:$0x0]  }
0x2: {  	s6 =	rddreg [dreg:$0x1]  }
0x3: {  	s7 =	rddreg [dreg:$0x2];
	s1 =	srdreg.scid  }
0x4: {  	s0 =	stileid.u32;
	s2 =	rddreg [dreg:$0x3];
	s3 =	simm.s32 $0x0  }
0x5: {  	s14 =	simm.s32 $0x40;
	s5 =	sand.u32 $0x1, s1;
	s1 =	rddreg [dreg:$0x4]  }
0x6: {  	s17 =	simm.s32 $0x0;
	s8 =	sshll.u32 s0, $0x1;
	[smem:$0x7FF] =	sst s3  }
0x7: {  	s10 =	smul.u32 $0x280, s0;
	s11 =	sshrl.u32 s0, $0x2;
	s15 =	sshll.u32 s0, $0x6  }
0x8: {  	s8 =	sor.u32 s5, s8;
	_ =	strace $0x80000047;
	s11 =	smul.u32 $0x14000, s11  }
0x9: {  	s12 =	ssub.s32 $0x2, s5;
	s5 =	smul.u32 $0x2800, s5;
	s15 =	sor.u32 $0x1C01, s15  }
0xa: {  	s9 =	smul.u32 $0xA00, s8;
	s8 =	sshll.u32 s8, $0x7;
	s13 =	sshrl.u32 s12, $0x1  }
0xb: {  	s8 =	sand.u32 $0x380, s8;
	s12 =	ssub.s32 s12, s13;
	s13 =	simm.s32 $0x5000  }
0xc: {  	s9 =	sadd.s32 s9, s4;
	s8 =	sor.u32 s11, s8;
	s4 =	sadd.s32 s10, s2  }
0xd: {  	s10 =	sadd.s32 s10, s5;
	s11 =	simm.s32 $0x80;
	s8 =	sshrl.u32 s8, $0x3  }
0xe: {  	s5 =	sadd.s32 $0x400, s9;
	s31 =	sshrl.u32 s10, $0x3;
	s9 =	simm.s32 $0x7800  }
0xf: {  	s10 =	simm.s32 $0x1;
	s16 =	sshrl.u32 s4, $0x3;
	s6 =	sadd.s32 s6, s8  }
0x10: {  	v0 =	vimm.f32 $0.0e+00;
	s7 =	sadd.s32 s7, s31;
	s8 =	smax.u32 s12, $0x1;
	s12 =	simm.s32 $0x400  }
.LBB2_1:
0x11: {  	[tilespmem:$0x7800] =	vst v0  }
0x12: {  	[tilespmem:$0x7810] =	vst v0  }
0x13: {  	[tilespmem:$0x7820] =	vst v0  }
0x14: {  	[tilespmem:$0x7830] =	vst v0  }
0x15: {  	[tilespmem:$0x7840] =	vst v0  }
0x16: {  	[tilespmem:$0x7850] =	vst v0  }
0x17: {  	[tilespmem:$0x7860] =	vst v0  }
0x18: {  	[tilespmem:$0x7870] =	vst v0  }
0x19: {  	[tilespmem:$0x7880] =	vst v0  }
0x1a: {  	[tilespmem:$0x7890] =	vst v0  }
0x1b: {  	[tilespmem:$0x78A0] =	vst v0  }
0x1c: {  	[tilespmem:$0x78B0] =	vst v0  }
0x1d: {  	[tilespmem:$0x78C0] =	vst v0  }
0x1e: {  	[tilespmem:$0x78D0] =	vst v0  }
0x1f: {  	[tilespmem:$0x78E0] =	vst v0  }
0x20: {  	[tilespmem:$0x78F0] =	vst v0  }
0x21: {  	[tilespmem:$0x7900] =	vst v0  }
0x22: {  	[tilespmem:$0x7910] =	vst v0  }
0x23: {  	[tilespmem:$0x7920] =	vst v0  }
0x24: {  	[tilespmem:$0x7930] =	vst v0  }
0x25: {  	[tilespmem:$0x7940] =	vst v0  }
0x26: {  	[tilespmem:$0x7950] =	vst v0  }
0x27: {  	[tilespmem:$0x7960] =	vst v0  }
0x28: {  	[tilespmem:$0x7970] =	vst v0  }
0x29: {  	[tilespmem:$0x7980] =	vst v0  }
0x2a: {  	[tilespmem:$0x7990] =	vst v0  }
0x2b: {  	[tilespmem:$0x79A0] =	vst v0  }
0x2c: {  	[tilespmem:$0x79B0] =	vst v0  }
0x2d: {  	[tilespmem:$0x79C0] =	vst v0  }
0x2e: {  	[tilespmem:$0x79D0] =	vst v0  }
0x2f: {  	[tilespmem:$0x79E0] =	vst v0  }
0x30: {  	[tilespmem:$0x79F0] =	vst v0  }
0x31: {  	[tilespmem:$0x7A00] =	vst v0  }
0x32: {  	[tilespmem:$0x7A10] =	vst v0  }
0x33: {  	[tilespmem:$0x7A20] =	vst v0  }
0x34: {  	[tilespmem:$0x7A30] =	vst v0  }
0x35: {  	[tilespmem:$0x7A40] =	vst v0  }
0x36: {  	[tilespmem:$0x7A50] =	vst v0  }
0x37: {  	[tilespmem:$0x7A60] =	vst v0  }
0x38: {  	[tilespmem:$0x7A70] =	vst v0  }
0x39: {  	[spmem:s4] =	stream.linear.scatter [tilespmem:s9], [sflag:$0x1], $0x280, $0x38;
	[tilespmem:$0x7D00] =	vst v63  }
0x3a: {  	_ =	swait.ge [sflag:s10], $0x280  }
0x3b: {  	[sflag:s10] =	ssyncset.done $0x0  }
0x3c: {  	[sflag:s10] =	ssyncadd.s32 $0xFFFFFD80  }
0x3d: {  	[bflag:$0x0] =	sbarrier.arrive $0xFFFF  }
0x3e: {  	[tilespmem:s3], [sflag:$0x1] =	stream.linear.gather [hbm4b:s5+s3], $0x5000, $0x38;
	[tilespmem:$0x7D00] =	vst v63  }
0x3f: {  	_ =	swait.ge [sflag:s10], $0x5000  }
0x40: {  	[sflag:s10] =	ssyncset.done $0x0  }
0x41: {  	[sflag:s10] =	ssyncadd.s32 $0xFFFFB000  }
0x42: {  	[tilespmem:s13], [sflag:$0x1] =	stream.strided.gather [hbm4b:s6+s11], $0x2800, s12, s11, $0x38;
	[tilespmem:$0x7D00] =	vst v63  }
0x43: {  	_ =	swait.ge [sflag:s10], $0x2800  }
0x44: {  	[sflag:s10] =	ssyncset.done $0x0  }
0x45: {  	s18 =	simm.s32 $0x5000;
	[sflag:s10] =	ssyncadd.s32 $0xFFFFD800  }
0x46: {  	[spmem:s2] =	stream.indirect.scatter.add.f32 [tilespmem:s18], [sflag:$0x1], $0x1, s3, s14, $0xb8;
	[tilespmem:$0x7D00] =	vst v63  }
0x47: {  	s19 =	simm.s32 $0x0;
	s18 =	simm.s32 $0x100;
	_ =	swait.ge [sflag:s10], $0x40  }
.LBB2_2:
0x48: {  	s20 =	sshra.s32 s18, $0x2  }
0x49: {  	[sflag:s10] =	ssyncset.done $0x0;
	s19 =	sadd.s32 $0x80, s19;
	p0 =	sne.s32 s18, $0x9F00  }
.Ltmp0:
0x4a: {  	s20 =	sadd.s32 $0x5000, s20;
	[sflag:s10] =	ssyncadd.s32 $0xFFFFFFC0;
	(pc) =	sbr.rel @p0 .LBB2_2-.Ltmp0, $3  }
0x4b: {  	[spmem:s2] =	stream.indirect.scatter.add.f32 [tilespmem:s20], [sflag:$0x1], $0x1, s19, s14, $0xb8;
	[tilespmem:$0x7D00] =	vst v63  }
0x4c: {  	s18 =	sadd.s32 $0x100, s18;
	_ =	sdelay $0x1  }
0x4d: {  	_ =	swait.ge [sflag:s10], $0x40  }
0x4e: {  	[sflag:s10] =	ssyncset.done $0x0;
	s17 =	sadd.s32 $0x1, s17  }
0x4f: {  	[sflag:s10] =	ssyncadd.s32 $0xFFFFFFC0;
	p0 =	sne.s32 s17, s8  }
.Ltmp1:
0x50: {  	[bflag:$0x0] =	sbarrier.arrive $0xFFFF;
	(pc) =	sbr.rel @p0 .LBB2_1-.Ltmp1, $4  }
0x51: {  	[hbm:s7], [sflag:s15] =	dma.local [spmem:s16], $0x50  }
0x52: {  	_ =	swait.ge [sflag:s10], $0x50  }
0x53: {  	[sflag:s10] =	ssyncset.done $0x0  }
0x54: {  	[sflag:s10] =	ssyncadd.s32 $0xFFFFFFB0  }
0x55: {  	_ =	sfence.sel $0x180000  }
0x56: {  	[bflag:$0x0] =	sbarrier.arrive $0xFFFF  }
0x57: {  	p0 =	sne.s32 s0, $0x0;
	_ =	strace $0x90000047  }
0x58: {  	s0 =	sadd.s32 @!p0 $0x100000, s1;
	[bflag:$0x2] =	sbarrier.arrive $0xFFFF  }
0x59: {  	[sflag:s0] =	ssyncadd.tile.s32 @!p0 $0x1;
	_ =	shalt  }
.Lfunc_end2:
_tile_overlayer_lowered:
.L_overlay_start_2:
0x5a: {  	(tag) =	ssettag $0x2  }
0x5b: {  	s0 =	rddreg [dreg:$0x0];
	s2 =	stileid.u32  }
0x5c: {  	s1 =	rddreg [dreg:$0x1];
	p0 =	sne.s32 s2, $0x0  }
0x5d: {  	s3 =	rddreg [dreg:$0x2];
	[bflag:$0x3] =	sbarrier.arrive $0xFFFF;
	s2 =	simm.s32 @!p0 $0x1C01  }
0x5e: {  	[timem:s3], [sflag:s2] =	dma.local @!p0 [hbm:s0], s1  }
0x5f: {  	s0 =	simm.s32 @!p0 $0x1  }
0x60: {  	_ =	swait.ge @!p0 [sflag:s0], s1  }
0x61: {  	s1 =	ssub.s32 @!p0 $0x0, s1;
	[sflag:s0] =	ssyncset.done @!p0 $0x0  }
0x62: {  	[sflag:s0] =	ssyncadd.s32 @!p0 s1  }
0x63: {  	[bflag:$0x3] =	sbarrier.arrive $0xFFFF  }
0x64: {  	_ =	shalt  }

</sc_bundles>
